<compile_context>
chip_gen: v7x
topology: tpu7x:2x2x1
jax: 0.10.2.dev20260603
libtpu: 0.0.44.dev20260713+nightly
codegen_flags: <defaults>
</compile_context>

<pallas_src>
import dataclasses

import jax
import jax.numpy as jnp
from jax import lax
from jax.experimental import pallas as pl
from jax.experimental.pallas import tpu as pltpu
from jax.experimental.pallas import tpu_sc as plsc

N = 10000
E = 160000
D = 256
LANES = 16
NTILES = 32
NPT = 320
N_PAD = NTILES * NPT
CHUNK = 2000
NCHUNKS = E // CHUNK
GROUP = 16

_MESH = plsc.VectorSubcoreMesh(core_axis_name="c", subcore_axis_name="s")

_SC_PARAMS = pltpu.CompilerParams()
if "needs_layout_passes" in pltpu.CompilerParams.__dataclass_fields__:
    _SC_PARAMS = dataclasses.replace(_SC_PARAMS, needs_layout_passes=False)


def _tile_range():
    wid = lax.axis_index("c") * 16 + lax.axis_index("s")
    lo = wid * NPT
    return lo, lo + NPT


def _deg_body(col_hbm, ew_hbm, deg_hbm,
              colbuf0, colbuf1, ewbuf0, ewbuf1, deg16, sem0, sem1):
    lo, hi = _tile_range()
    zeros = jnp.zeros((LANES,), jnp.float32)
    bufs = ((colbuf0, ewbuf0, sem0), (colbuf1, ewbuf1, sem1))

    @pl.loop(0, NPT)
    def _(i):
        deg16[i, :] = zeros

    lane = lax.iota(jnp.int32, LANES)

    def _issue(ci, b):
        base = ci * CHUNK
        cb, eb, sm = bufs[b]
        pltpu.async_copy(col_hbm.at[pl.ds(base, CHUNK)], cb, sm.at[0])
        pltpu.async_copy(ew_hbm.at[pl.ds(base, CHUNK)], eb, sm.at[1])

    def _wait(ci, b):
        base = ci * CHUNK
        cb, eb, sm = bufs[b]
        pltpu.make_async_copy(col_hbm.at[pl.ds(base, CHUNK)], cb,
                              sm.at[0]).wait()
        pltpu.make_async_copy(ew_hbm.at[pl.ds(base, CHUNK)], eb,
                              sm.at[1]).wait()

    def _process(b):
        cb, eb, _ = bufs[b]

        @pl.loop(0, CHUNK, step=LANES, unroll=4)
        def _(i):
            col16 = cb[pl.ds(i, LANES)]
            ew16 = eb[pl.ds(i, LANES)]
            msk = (col16 >= lo) & (col16 < hi)
            loc = jnp.where(msk, col16 - lo, 0)
            plsc.addupdate_scatter(deg16, [loc, lane], ew16, mask=msk)

    _issue(0, 0)

    @pl.loop(0, NCHUNKS, step=2)
    def _(ci):
        _wait(ci, 0)
        _issue(ci + 1, 1)
        _process(0)
        _wait(ci + 1, 1)

        @pl.when(ci + 2 < NCHUNKS)
        def _():
            _issue(ci + 2, 0)

        _process(1)

    pltpu.sync_copy(deg16, deg_hbm.at[pl.ds(lo, NPT)])


@jax.jit
def _sc_deg(col, ew):
    kfn = pl.kernel(
        _deg_body,
        out_type=jax.ShapeDtypeStruct((N_PAD, LANES), jnp.float32),
        mesh=_MESH,
        compiler_params=_SC_PARAMS,
        scratch_types=[
            pltpu.VMEM((CHUNK,), jnp.int32),
            pltpu.VMEM((CHUNK,), jnp.int32),
            pltpu.VMEM((CHUNK,), jnp.float32),
            pltpu.VMEM((CHUNK,), jnp.float32),
            pltpu.VMEM((NPT, LANES), jnp.float32),
            pltpu.SemaphoreType.DMA((2,)),
            pltpu.SemaphoreType.DMA((2,)),
        ],
    )
    return kfn(col, ew)


_BM = 400
_GRID_M = N // _BM


def _mm_body(x_ref, w_ref, deg_ref, h_ref, dis_ref):
    h_ref[...] = lax.dot_general(
        x_ref[...], w_ref[...], (((1,), (0,)), ((), ())),
        precision=lax.Precision.HIGHEST)

    @pl.when(pl.program_id(0) == 0)
    def _():
        deg = jnp.sum(deg_ref[...], axis=1) + 1.0
        dis_ref[...] = lax.rsqrt(deg)


@jax.jit
def _tc_mm(x, w, deg16):
    return pl.pallas_call(
        _mm_body,
        grid=(_GRID_M,),
        in_specs=[
            pl.BlockSpec((_BM, D), lambda i: (i, 0)),
            pl.BlockSpec((D, D), lambda i: (0, 0)),
            pl.BlockSpec((N_PAD, LANES), lambda i: (0, 0)),
        ],
        out_specs=[
            pl.BlockSpec((_BM, D), lambda i: (i, 0)),
            pl.BlockSpec((N_PAD,), lambda i: (0,)),
        ],
        out_shape=[
            jax.ShapeDtypeStruct((N, D), jnp.float32),
            jax.ShapeDtypeStruct((N_PAD,), jnp.float32),
        ],
    )(x, w, deg16)


def _main_body(row_hbm, col_hbm, ew_hbm, dis_hbm, h_hbm, acc_hbm,
               disbuf, colbuf0, colbuf1, rowbuf0, rowbuf1, ewbuf0, ewbuf1,
               locbuf, rowselbuf, ewselbuf, normbuf, rows0, rows1, accbuf,
               sem0, sem1, gsem0, gsem1):
    lo, hi = _tile_range()
    zeros = jnp.zeros((LANES,), jnp.float32)
    bufs = ((colbuf0, rowbuf0, ewbuf0, sem0), (colbuf1, rowbuf1, ewbuf1, sem1))
    rbufs = ((rows0, gsem0), (rows1, gsem1))

    def _issue(ci, b):
        base = ci * CHUNK
        cb, rb, eb, sm = bufs[b]
        pltpu.async_copy(col_hbm.at[pl.ds(base, CHUNK)], cb, sm.at[0])
        pltpu.async_copy(row_hbm.at[pl.ds(base, CHUNK)], rb, sm.at[1])
        pltpu.async_copy(ew_hbm.at[pl.ds(base, CHUNK)], eb, sm.at[2])

    def _wait(ci, b):
        base = ci * CHUNK
        cb, rb, eb, sm = bufs[b]
        pltpu.make_async_copy(col_hbm.at[pl.ds(base, CHUNK)], cb,
                              sm.at[0]).wait()
        pltpu.make_async_copy(row_hbm.at[pl.ds(base, CHUNK)], rb,
                              sm.at[1]).wait()
        pltpu.make_async_copy(ew_hbm.at[pl.ds(base, CHUNK)], eb,
                              sm.at[2]).wait()

    def _gissue(g, b):
        rv, gsm = rbufs[b]
        rn = rowselbuf[pl.ds(g * GROUP, GROUP)]
        pltpu.async_copy(h_hbm.at[rn], rv, gsm)

    def _gwait(g, b):
        rv, gsm = rbufs[b]
        rn = rowselbuf[pl.ds(g * GROUP, GROUP)]
        pltpu.make_async_copy(h_hbm.at[rn], rv, gsm).wait()

    def _process(b):
        cb, rb, eb, _ = bufs[b]

        def compact(i, s_splat):
            col16 = cb[pl.ds(i * LANES, LANES)]
            msk = (col16 >= lo) & (col16 < hi)
            loc16 = jnp.where(msk, col16 - lo, 0)
            row16 = rb[pl.ds(i * LANES, LANES)]
            ew16 = eb[pl.ds(i * LANES, LANES)]
            s = s_splat[0]
            plsc.store_compressed(locbuf.at[pl.ds(s, LANES)], loc16, mask=msk)
            plsc.store_compressed(rowselbuf.at[pl.ds(s, LANES)], row16,
                                  mask=msk)
            plsc.store_compressed(ewselbuf.at[pl.ds(s, LANES)], ew16, mask=msk)
            return s_splat + plsc.all_reduce_population_count(msk)

        s_tot = lax.fori_loop(0, CHUNK // LANES, compact,
                              jnp.zeros((LANES,), jnp.int32), unroll=2)[0]
        zpad = jnp.zeros((LANES,), jnp.int32)
        rowselbuf[pl.ds(s_tot, LANES)] = zpad
        rowselbuf[pl.ds(s_tot + LANES, LANES)] = zpad

        ngroups = (s_tot + (GROUP - 1)) >> 4

        def normloop(j, _):
            r16 = rowselbuf[pl.ds(j * LANES, LANES)]
            disg = plsc.load_gather(disbuf, [r16])
            normbuf[pl.ds(j * LANES, LANES)] = (
                ewselbuf[pl.ds(j * LANES, LANES)] * disg)
            return 0

        lax.fori_loop(0, (s_tot + (LANES - 1)) >> 4, normloop, 0)

        def _accum(g, b2):
            rv, _ = rbufs[b2]
            e_hi = jnp.minimum(s_tot - g * GROUP, GROUP)

            def ebody(el, _):
                e = g * GROUP + el
                loc_e = locbuf[pl.ds(e, LANES)][0]
                nsp = plsc.load_gather(
                    normbuf, [jnp.full((LANES,), e, jnp.int32)])
                ns = D // LANES
                vs = {0: rv[el, pl.ds(0, LANES)],
                      1: rv[el, pl.ds(LANES, LANES)]}
                for d in range(ns):
                    if d + 2 < ns:
                        vs[d + 2] = rv[el, pl.ds((d + 2) * LANES, LANES)]
                    sl = pl.ds(d * LANES, LANES)
                    plsc.addupdate(accbuf.at[loc_e, sl], vs.pop(d) * nsp)
                return 0

            lax.fori_loop(0, e_hi, ebody, 0)

        @pl.when(ngroups > 0)
        def _():
            _gissue(0, 0)

        def gpair(p, _):
            g = 2 * p
            _gwait(g, 0)

            @pl.when(g + 1 < ngroups)
            def _():
                _gissue(g + 1, 1)

            _accum(g, 0)

            @pl.when(g + 1 < ngroups)
            def _():
                _gwait(g + 1, 1)

                @pl.when(g + 2 < ngroups)
                def _():
                    _gissue(g + 2, 0)

                _accum(g + 1, 1)

            return 0

        lax.fori_loop(0, (ngroups + 1) >> 1, gpair, 0)

    _issue(0, 0)
    pltpu.sync_copy(dis_hbm, disbuf)

    @pl.loop(0, NPT)
    def _(i):
        for d in range(D // LANES):
            accbuf[i, pl.ds(d * LANES, LANES)] = zeros

    @pl.loop(0, NCHUNKS, step=2)
    def _(ci):
        _wait(ci, 0)
        _issue(ci + 1, 1)
        _process(0)
        _wait(ci + 1, 1)

        @pl.when(ci + 2 < NCHUNKS)
        def _():
            _issue(ci + 2, 0)

        _process(1)

    pltpu.sync_copy(accbuf, acc_hbm.at[pl.ds(lo, NPT)])


@jax.jit
def _sc_main(row, col, ew, dis, h):
    kfn = pl.kernel(
        _main_body,
        out_type=jax.ShapeDtypeStruct((N_PAD, D), jnp.float32),
        mesh=_MESH,
        compiler_params=_SC_PARAMS,
        scratch_types=[
            pltpu.VMEM((N_PAD,), jnp.float32),
            pltpu.VMEM((CHUNK,), jnp.int32),
            pltpu.VMEM((CHUNK,), jnp.int32),
            pltpu.VMEM((CHUNK,), jnp.int32),
            pltpu.VMEM((CHUNK,), jnp.int32),
            pltpu.VMEM((CHUNK,), jnp.float32),
            pltpu.VMEM((CHUNK,), jnp.float32),
            pltpu.VMEM((CHUNK + 2 * LANES,), jnp.int32),
            pltpu.VMEM((CHUNK + 2 * LANES,), jnp.int32),
            pltpu.VMEM((CHUNK + 2 * LANES,), jnp.float32),
            pltpu.VMEM((CHUNK + 2 * LANES,), jnp.float32),
            pltpu.VMEM((GROUP, D), jnp.float32),
            pltpu.VMEM((GROUP, D), jnp.float32),
            pltpu.VMEM((NPT, D), jnp.float32),
            pltpu.SemaphoreType.DMA((3,)),
            pltpu.SemaphoreType.DMA((3,)),
            pltpu.SemaphoreType.DMA,
            pltpu.SemaphoreType.DMA,
        ],
    )
    return kfn(row, col, ew, dis, h)


def _combine_body(acc_ref, h_ref, deg_ref, b_ref, out_ref):
    dis = lax.rsqrt(jnp.sum(deg_ref[...], axis=1, keepdims=True) + 1.0)
    pre = dis * acc_ref[...] + (dis * dis) * h_ref[...] + b_ref[...][None, :]
    out_ref[...] = jnp.maximum(pre, 0.0)


@jax.jit
def _tc_combine(acc, h, deg16, b):
    return pl.pallas_call(
        _combine_body,
        grid=(_GRID_M,),
        in_specs=[
            pl.BlockSpec((_BM, D), lambda i: (i, 0)),
            pl.BlockSpec((_BM, D), lambda i: (i, 0)),
            pl.BlockSpec((_BM, LANES), lambda i: (i, 0)),
            pl.BlockSpec((D,), lambda i: (0,)),
        ],
        out_specs=pl.BlockSpec((_BM, D), lambda i: (i, 0)),
        out_shape=jax.ShapeDtypeStruct((N, D), jnp.float32),
    )(acc, h, deg16, b)


def kernel(x, edge_index, edge_weight, W, b):
    row = edge_index[0]
    col = edge_index[1]
    deg16 = _sc_deg(col, edge_weight)
    h, dis = _tc_mm(x, W, deg16)
    acc = _sc_main(row, col, edge_weight, dis, h)
    return _tc_combine(acc, h, deg16, b)

# --- scband reference (transcript-rebuilt; emitter-appended) ---
"""Pipeline reference for scband-gcn-21371757265531 (READ-ONLY COPY).

The authoritative reference and input builder live on the scoring server;
editing this copy changes nothing except your own understanding.
"""

import jax, jax.numpy as jnp
import numpy as np

N = 10000
E = 160000
D_IN = 256
D_OUT = 256


def setup_inputs(seed: int = 0) -> dict:
    key = jax.random.key(seed)
    k1, k2, k3, k4 = jax.random.split(key, 4)
    x = jax.random.normal(k1, (N, D_IN), dtype=jnp.float32)
    edge_index = jax.random.randint(k2, (2, E), 0, N, dtype=jnp.int32)
    edge_weight = jax.random.uniform(k3, (E,), dtype=jnp.float32)
    # GCNConv learned params: weight [D_IN, D_OUT] (glorot-ish), bias [D_OUT]
    W = jax.random.normal(k4, (D_IN, D_OUT), dtype=jnp.float32) * (1.0 / np.sqrt(D_IN))
    b = jnp.zeros((D_OUT,), dtype=jnp.float32)
    return {"x": x, "edge_index": edge_index, "edge_weight": edge_weight, "W": W, "b": b}


def reference(x, edge_index, edge_weight, W, b):
    # Faithful PyG GCNConv (cached=False, add_self_loops=True, normalize=True,
    # flow=source_to_target) followed by ReLU, as in GCN.forward.
    row, col = edge_index[0], edge_index[1]
    loop = jnp.arange(N, dtype=edge_index.dtype)
    row_f = jnp.concatenate([row, loop])
    col_f = jnp.concatenate([col, loop])
    ew_f = jnp.concatenate([edge_weight, jnp.ones((N,), dtype=x.dtype)])  # self-loop fill=1
    # symmetric normalization: deg computed at destination (col)
    deg = jax.ops.segment_sum(ew_f, col_f, num_segments=N)
    deg_inv_sqrt = jnp.where(deg > 0, jax.lax.rsqrt(jnp.maximum(deg, 1e-38)), 0.0)
    norm = deg_inv_sqrt[row_f] * ew_f * deg_inv_sqrt[col_f]
    # linear transform then propagate
    h = x @ W
    msg = norm[:, None] * h[row_f]
    out = jax.ops.segment_sum(msg, col_f, num_segments=N)
    out = out + b
    return jax.nn.relu(out)

if __name__ == "__main__":
    import jax
    _d = setup_inputs()
    print(jax.jit(kernel)(*tuple(_d.values())))

</pallas_src>

<mosaic_0001>
#map = affine_map<(d0, d1) -> (0)>
#map1 = affine_map<(d0, d1) -> (0, 0)>
module attributes {stable_mosaic.version = 14 : i64} {
  func.func @_deg_body(%arg0: i32, %arg1: i32, %arg2: memref<160000xi32, #tpu.memory_space<hbm>>, %arg3: memref<160000xf32, #tpu.memory_space<hbm>>, %arg4: memref<10240x16xf32, #tpu.memory_space<hbm>>, %arg5: memref<2000xi32, #tpu.memory_space<vmem>>, %arg6: memref<2000xi32, #tpu.memory_space<vmem>>, %arg7: memref<2000xf32, #tpu.memory_space<vmem>>, %arg8: memref<2000xf32, #tpu.memory_space<vmem>>, %arg9: memref<320x16xf32, #tpu.memory_space<vmem>>, %arg10: memref<2x!tpu.dma_semaphore, #tpu.memory_space<semaphore_mem>>, %arg11: memref<2x!tpu.dma_semaphore, #tpu.memory_space<semaphore_mem>>) attributes {dimension_semantics = [#tpu.dimension_semantics<core_parallel>, #tpu.dimension_semantics<subcore_parallel>], iteration_bounds = array<i64: 2, 16>, scalar_prefetch = 0 : i64, scratch_operands = 7 : i64, tpu.core_type = #tpu.core_type<sc_vector_subcore>, window_params = [{transform_indices = #map}, {transform_indices = #map}, {transform_indices = #map1}]} {
    %mul3A = arith.constant 16 : i32
    %mul3A_0 = arith.muli %arg0, %mul3A : i32
    %add3A = arith.addi %mul3A_0, %arg1 : i32
    %mul3A_1 = arith.constant 320 : i32
    %mul3A_2 = arith.muli %add3A, %mul3A_1 : i32
    %add3A_3 = arith.constant 320 : i32
    %add3A_4 = arith.addi %mul3A_2, %add3A_3 : i32
    %broadcast_in_dim3A = arith.constant 0.000000e+00 : f32
    %broadcast_in_dim3A_5 = vector.broadcast %broadcast_in_dim3A : f32 to vector<16xf32>
    %scan3A = arith.constant 0 : i32
    %scan3A_6 = arith.constant 320 : i32
    %scan3A_7 = arith.addi %scan3A, %scan3A_6 : i32
    %scan3A_8 = arith.constant 1 : i32
    scf.for %scan3A_28 = %scan3A to %scan3A_7 step %scan3A_8  : i32 {
      %mul3A_29 = arith.constant 1 : i32
      %mul3A_30 = arith.muli %scan3A_28, %mul3A_29 : i32
      %add3A_31 = arith.constant 0 : i32
      %add3A_32 = arith.addi %add3A_31, %mul3A_30 : i32
      %swap3A = arith.index_cast %add3A_32 : i32 to index
      %swap3A_33 = arith.constant 0 : index
      %swap3A_34 = tpu.vector_load %arg9[%swap3A, %swap3A_33] {strides = array<i32>} : memref<320x16xf32, #tpu.memory_space<vmem>>, vector<16xf32>,
      tpu.vector_store %arg9[%swap3A, %swap3A_33], %broadcast_in_dim3A_5 {strides = array<i32>} : memref<320x16xf32, #tpu.memory_space<vmem>>, vector<16xf32>,
    }
    %scan3A_9 = arith.constant 320 : i32
    %iota3A = tpu.iota {dimensions = array<i32: 0>} : vector<16xi32>
    %dma_start3A = arith.constant 0 : i32
    %dma_start3A_10 = arith.constant 0 : i32
    %dma_start3A_11 = tpu.memref_slice %arg2[%dma_start3A_10] : memref<160000xi32, #tpu.memory_space<hbm>> -> memref<2000xi32, #tpu.memory_space<hbm>>
    %dma_start3A_12 = tpu.memref_slice %arg10[%dma_start3A] : memref<2x!tpu.dma_semaphore, #tpu.memory_space<semaphore_mem>> -> memref<1x!tpu.dma_semaphore, #tpu.memory_space<semaphore_mem>>
    %dma_start3A_13 = tpu.memref_squeeze %dma_start3A_12 : memref<1x!tpu.dma_semaphore, #tpu.memory_space<semaphore_mem>> -> memref<!tpu.dma_semaphore, #tpu.memory_space<semaphore_mem>>
    %dma_start3A_14 = arith.constant 0 : i32
    %dma_start3A_15 = tpu.memref_slice %arg2[%dma_start3A_14] : memref<160000xi32, #tpu.memory_space<hbm>> -> memref<2000xi32, #tpu.memory_space<hbm>>
    tpu.enqueue_dma source(%dma_start3A_15 : memref<2000xi32, #tpu.memory_space<hbm>>) target(%arg5 : memref<2000xi32, #tpu.memory_space<vmem>>) target_semaphore(%dma_start3A_13 : memref<!tpu.dma_semaphore, #tpu.memory_space<semaphore_mem>>)
    %dma_start3A_16 = arith.constant 1 : i32
    %dma_start3A_17 = arith.constant 0 : i32
    %dma_start3A_18 = tpu.memref_slice %arg3[%dma_start3A_17] : memref<160000xf32, #tpu.memory_space<hbm>> -> memref<2000xf32, #tpu.memory_space<hbm>>
    %dma_start3A_19 = tpu.memref_slice %arg10[%dma_start3A_16] : memref<2x!tpu.dma_semaphore, #tpu.memory_space<semaphore_mem>> -> memref<1x!tpu.dma_semaphore, #tpu.memory_space<semaphore_mem>>
    %dma_start3A_20 = tpu.memref_squeeze %dma_start3A_19 : memref<1x!tpu.dma_semaphore, #tpu.memory_space<semaphore_mem>> -> memref<!tpu.dma_semaphore, #tpu.memory_space<semaphore_mem>>
    %dma_start3A_21 = arith.constant 0 : i32
    %dma_start3A_22 = tpu.memref_slice %arg3[%dma_start3A_21] : memref<160000xf32, #tpu.memory_space<hbm>> -> memref<2000xf32, #tpu.memory_space<hbm>>
    tpu.enqueue_dma source(%dma_start3A_22 : memref<2000xf32, #tpu.memory_space<hbm>>) target(%arg7 : memref<2000xf32, #tpu.memory_space<vmem>>) target_semaphore(%dma_start3A_20 : memref<!tpu.dma_semaphore, #tpu.memory_space<semaphore_mem>>)
    %scan3A_23 = arith.constant 0 : i32
    %scan3A_24 = arith.constant 40 : i32
    %scan3A_25 = arith.addi %scan3A_23, %scan3A_24 : i32
    %scan3A_26 = arith.constant 1 : i32
    scf.for %scan3A_28 = %scan3A_23 to %scan3A_25 step %scan3A_26  : i32 {
      %mul3A_29 = arith.constant 2 : i32
      %mul3A_30 = arith.muli %scan3A_28, %mul3A_29 : i32
      %add3A_31 = arith.constant 0 : i32
      %add3A_32 = arith.addi %add3A_31, %mul3A_30 : i32
      %mul3A_33 = arith.constant 2000 : i32
      %mul3A_34 = arith.muli %add3A_32, %mul3A_33 : i32
      %dma_wait3A = arith.constant 0 : i32
      %dma_wait3A_35 = tpu.memref_slice %arg2[%mul3A_34] : memref<160000xi32, #tpu.memory_space<hbm>> -> memref<2000xi32, #tpu.memory_space<hbm>>
      %dma_wait3A_36 = tpu.memref_slice %arg10[%dma_wait3A] : memref<2x!tpu.dma_semaphore, #tpu.memory_space<semaphore_mem>> -> memref<1x!tpu.dma_semaphore, #tpu.memory_space<semaphore_mem>>
      %dma_wait3A_37 = tpu.memref_squeeze %dma_wait3A_36 : memref<1x!tpu.dma_semaphore, #tpu.memory_space<semaphore_mem>> -> memref<!tpu.dma_semaphore, #tpu.memory_space<semaphore_mem>>
      %dma_wait3A_38 = tpu.memref_slice %arg2[%mul3A_34] : memref<160000xi32, #tpu.memory_space<hbm>> -> memref<2000xi32, #tpu.memory_space<hbm>>
      tpu.wait_dma2 semaphore(%dma_wait3A_37 : memref<!tpu.dma_semaphore, #tpu.memory_space<semaphore_mem>>) src(%dma_wait3A_38 : memref<2000xi32, #tpu.memory_space<hbm>>) dst(%arg5 : memref<2000xi32, #tpu.memory_space<vmem>>)
      %dma_wait3A_39 = arith.constant 1 : i32
      %dma_wait3A_40 = tpu.memref_slice %arg3[%mul3A_34] : memref<160000xf32, #tpu.memory_space<hbm>> -> memref<2000xf32, #tpu.memory_space<hbm>>
      %dma_wait3A_41 = tpu.memref_slice %arg10[%dma_wait3A_39] : memref<2x!tpu.dma_semaphore, #tpu.memory_space<semaphore_mem>> -> memref<1x!tpu.dma_semaphore, #tpu.memory_space<semaphore_mem>>
      %dma_wait3A_42 = tpu.memref_squeeze %dma_wait3A_41 : memref<1x!tpu.dma_semaphore, #tpu.memory_space<semaphore_mem>> -> memref<!tpu.dma_semaphore, #tpu.memory_space<semaphore_mem>>
      %dma_wait3A_43 = tpu.memref_slice %arg3[%mul3A_34] : memref<160000xf32, #tpu.memory_space<hbm>> -> memref<2000xf32, #tpu.memory_space<hbm>>
      tpu.wait_dma2 semaphore(%dma_wait3A_42 : memref<!tpu.dma_semaphore, #tpu.memory_space<semaphore_mem>>) src(%dma_wait3A_43 : memref<2000xf32, #tpu.memory_space<hbm>>) dst(%arg7 : memref<2000xf32, #tpu.memory_space<vmem>>)
      %add3A_44 = arith.constant 1 : i32
      %add3A_45 = arith.addi %add3A_32, %add3A_44 : i32
      %mul3A_46 = arith.constant 2000 : i32
      %mul3A_47 = arith.muli %add3A_45, %mul3A_46 : i32
      %dma_start3A_48 = arith.constant 0 : i32
      %dma_start3A_49 = tpu.memref_slice %arg2[%mul3A_47] : memref<160000xi32, #tpu.memory_space<hbm>> -> memref<2000xi32, #tpu.memory_space<hbm>>
      %dma_start3A_50 = tpu.memref_slice %arg11[%dma_start3A_48] : memref<2x!tpu.dma_semaphore, #tpu.memory_space<semaphore_mem>> -> memref<1x!tpu.dma_semaphore, #tpu.memory_space<semaphore_mem>>
      %dma_start3A_51 = tpu.memref_squeeze %dma_start3A_50 : memref<1x!tpu.dma_semaphore, #tpu.memory_space<semaphore_mem>> -> memref<!tpu.dma_semaphore, #tpu.memory_space<semaphore_mem>>
      %dma_start3A_52 = tpu.memref_slice %arg2[%mul3A_47] : memref<160000xi32, #tpu.memory_space<hbm>> -> memref<2000xi32, #tpu.memory_space<hbm>>
      tpu.enqueue_dma source(%dma_start3A_52 : memref<2000xi32, #tpu.memory_space<hbm>>) target(%arg6 : memref<2000xi32, #tpu.memory_space<vmem>>) target_semaphore(%dma_start3A_51 : memref<!tpu.dma_semaphore, #tpu.memory_space<semaphore_mem>>)
      %dma_start3A_53 = arith.constant 1 : i32
      %dma_start3A_54 = tpu.memref_slice %arg3[%mul3A_47] : memref<160000xf32, #tpu.memory_space<hbm>> -> memref<2000xf32, #tpu.memory_space<hbm>>
      %dma_start3A_55 = tpu.memref_slice %arg11[%dma_start3A_53] : memref<2x!tpu.dma_semaphore, #tpu.memory_space<semaphore_mem>> -> memref<1x!tpu.dma_semaphore, #tpu.memory_space<semaphore_mem>>
      %dma_start3A_56 = tpu.memref_squeeze %dma_start3A_55 : memref<1x!tpu.dma_semaphore, #tpu.memory_space<semaphore_mem>> -> memref<!tpu.dma_semaphore, #tpu.memory_space<semaphore_mem>>
      %dma_start3A_57 = tpu.memref_slice %arg3[%mul3A_47] : memref<160000xf32, #tpu.memory_space<hbm>> -> memref<2000xf32, #tpu.memory_space<hbm>>
      tpu.enqueue_dma source(%dma_start3A_57 : memref<2000xf32, #tpu.memory_space<hbm>>) target(%arg8 : memref<2000xf32, #tpu.memory_space<vmem>>) target_semaphore(%dma_start3A_56 : memref<!tpu.dma_semaphore, #tpu.memory_space<semaphore_mem>>)
      %scan3A_58 = arith.constant 0 : i32
      %scan3A_59 = arith.constant 124 : i32
      %scan3A_60 = arith.addi %scan3A_58, %scan3A_59 : i32
      %scan3A_61 = arith.constant 4 : i32
      scf.for %scan3A_120 = %scan3A_58 to %scan3A_60 step %scan3A_61  : i32 {
        %mul3A_121 = arith.constant 16 : i32
        %mul3A_122 = arith.muli %scan3A_120, %mul3A_121 : i32
        %add3A_123 = arith.constant 0 : i32
        %add3A_124 = arith.addi %add3A_123, %mul3A_122 : i32
        %get3A_125 = arith.index_cast %add3A_124 : i32 to index
        %get3A_126 = tpu.vector_load %arg5[%get3A_125] {strides = array<i32>} : memref<2000xi32, #tpu.memory_space<vmem>>, vector<16xi32>,
        %get3A_127 = arith.index_cast %add3A_124 : i32 to index
        %get3A_128 = tpu.vector_load %arg7[%get3A_127] {strides = array<i32>} : memref<2000xf32, #tpu.memory_space<vmem>>, vector<16xf32>,
        %ge3A_129 = vector.broadcast %mul3A_2 : i32 to vector<16xi32>
        %ge3A_130 = arith.cmpi sge, %get3A_126, %ge3A_129 : vector<16xi32>
        %lt3A_131 = vector.broadcast %add3A_4 : i32 to vector<16xi32>
        %lt3A_132 = arith.cmpi slt, %get3A_126, %lt3A_131 : vector<16xi32>
        %and3A_133 = arith.andi %ge3A_130, %lt3A_132 : vector<16xi1>
        %sub3A_134 = vector.broadcast %mul3A_2 : i32 to vector<16xi32>
        %sub3A_135 = arith.subi %get3A_126, %sub3A_134 : vector<16xi32>
        %jit3A_136 = arith.constant 0 : i32
        %broadcast_in_dim3A_137 = vector.broadcast %jit3A_136 : i32 to vector<16xi32>
        %select_n3A_138 = arith.select %and3A_133, %sub3A_135, %broadcast_in_dim3A_137 : vector<16xi1>, vector<16xi32>
        tpu.vector_store_idx %arg9[%select_n3A_138, %iota3A], %get3A_128 masked %and3A_133 {add = true} : memref<320x16xf32, #tpu.memory_space<vmem>>[vector<16xi32>, vector<16xi32>], vector<16xf32>, vector<16xi1>
        %scan3A_139 = arith.constant 1 : i32
        %scan3A_140 = arith.addi %scan3A_120, %scan3A_139 : i32
        %mul3A_141 = arith.constant 16 : i32
        %mul3A_142 = arith.muli %scan3A_140, %mul3A_141 : i32
        %add3A_143 = arith.constant 0 : i32
        %add3A_144 = arith.addi %add3A_143, %mul3A_142 : i32
        %get3A_145 = arith.index_cast %add3A_144 : i32 to index
        %get3A_146 = tpu.vector_load %arg5[%get3A_145] {strides = array<i32>} : memref<2000xi32, #tpu.memory_space<vmem>>, vector<16xi32>,
        %get3A_147 = arith.index_cast %add3A_144 : i32 to index
        %get3A_148 = tpu.vector_load %arg7[%get3A_147] {strides = array<i32>} : memref<2000xf32, #tpu.memory_space<vmem>>, vector<16xf32>,
        %ge3A_149 = vector.broadcast %mul3A_2 : i32 to vector<16xi32>
        %ge3A_150 = arith.cmpi sge, %get3A_146, %ge3A_149 : vector<16xi32>
        %lt3A_151 = vector.broadcast %add3A_4 : i32 to vector<16xi32>
        %lt3A_152 = arith.cmpi slt, %get3A_146, %lt3A_151 : vector<16xi32>
        %and3A_153 = arith.andi %ge3A_150, %lt3A_152 : vector<16xi1>
        %sub3A_154 = vector.broadcast %mul3A_2 : i32 to vector<16xi32>
        %sub3A_155 = arith.subi %get3A_146, %sub3A_154 : vector<16xi32>
        %jit3A_156 = arith.constant 0 : i32
        %broadcast_in_dim3A_157 = vector.broadcast %jit3A_156 : i32 to vector<16xi32>
        %select_n3A_158 = arith.select %and3A_153, %sub3A_155, %broadcast_in_dim3A_157 : vector<16xi1>, vector<16xi32>
        tpu.vector_store_idx %arg9[%select_n3A_158, %iota3A], %get3A_148 masked %and3A_153 {add = true} : memref<320x16xf32, #tpu.memory_space<vmem>>[vector<16xi32>, vector<16xi32>], vector<16xf32>, vector<16xi1>
        %scan3A_159 = arith.constant 2 : i32
        %scan3A_160 = arith.addi %scan3A_120, %scan3A_159 : i32
        %mul3A_161 = arith.constant 16 : i32
        %mul3A_162 = arith.muli %scan3A_160, %mul3A_161 : i32
        %add3A_163 = arith.constant 0 : i32
        %add3A_164 = arith.addi %add3A_163, %mul3A_162 : i32
        %get3A_165 = arith.index_cast %add3A_164 : i32 to index
        %get3A_166 = tpu.vector_load %arg5[%get3A_165] {strides = array<i32>} : memref<2000xi32, #tpu.memory_space<vmem>>, vector<16xi32>,
        %get3A_167 = arith.index_cast %add3A_164 : i32 to index
        %get3A_168 = tpu.vector_load %arg7[%get3A_167] {strides = array<i32>} : memref<2000xf32, #tpu.memory_space<vmem>>, vector<16xf32>,
        %ge3A_169 = vector.broadcast %mul3A_2 : i32 to vector<16xi32>
        %ge3A_170 = arith.cmpi sge, %get3A_166, %ge3A_169 : vector<16xi32>
        %lt3A_171 = vector.broadcast %add3A_4 : i32 to vector<16xi32>
        %lt3A_172 = arith.cmpi slt, %get3A_166, %lt3A_171 : vector<16xi32>
        %and3A_173 = arith.andi %ge3A_170, %lt3A_172 : vector<16xi1>
        %sub3A_174 = vector.broadcast %mul3A_2 : i32 to vector<16xi32>
        %sub3A_175 = arith.subi %get3A_166, %sub3A_174 : vector<16xi32>
        %jit3A_176 = arith.constant 0 : i32
        %broadcast_in_dim3A_177 = vector.broadcast %jit3A_176 : i32 to vector<16xi32>
        %select_n3A_178 = arith.select %and3A_173, %sub3A_175, %broadcast_in_dim3A_177 : vector<16xi1>, vector<16xi32>
        tpu.vector_store_idx %arg9[%select_n3A_178, %iota3A], %get3A_168 masked %and3A_173 {add = true} : memref<320x16xf32, #tpu.memory_space<vmem>>[vector<16xi32>, vector<16xi32>], vector<16xf32>, vector<16xi1>
        %scan3A_179 = arith.constant 3 : i32
        %scan3A_180 = arith.addi %scan3A_120, %scan3A_179 : i32
        %mul3A_181 = arith.constant 16 : i32
        %mul3A_182 = arith.muli %scan3A_180, %mul3A_181 : i32
        %add3A_183 = arith.constant 0 : i32
        %add3A_184 = arith.addi %add3A_183, %mul3A_182 : i32
        %get3A_185 = arith.index_cast %add3A_184 : i32 to index
        %get3A_186 = tpu.vector_load %arg5[%get3A_185] {strides = array<i32>} : memref<2000xi32, #tpu.memory_space<vmem>>, vector<16xi32>,
        %get3A_187 = arith.index_cast %add3A_184 : i32 to index
        %get3A_188 = tpu.vector_load %arg7[%get3A_187] {strides = array<i32>} : memref<2000xf32, #tpu.memory_space<vmem>>, vector<16xf32>,
        %ge3A_189 = vector.broadcast %mul3A_2 : i32 to vector<16xi32>
        %ge3A_190 = arith.cmpi sge, %get3A_186, %ge3A_189 : vector<16xi32>
        %lt3A_191 = vector.broadcast %add3A_4 : i32 to vector<16xi32>
        %lt3A_192 = arith.cmpi slt, %get3A_186, %lt3A_191 : vector<16xi32>
        %and3A_193 = arith.andi %ge3A_190, %lt3A_192 : vector<16xi1>
        %sub3A_194 = vector.broadcast %mul3A_2 : i32 to vector<16xi32>
        %sub3A_195 = arith.subi %get3A_186, %sub3A_194 : vector<16xi32>
        %jit3A_196 = arith.constant 0 : i32
        %broadcast_in_dim3A_197 = vector.broadcast %jit3A_196 : i32 to vector<16xi32>
        %select_n3A_198 = arith.select %and3A_193, %sub3A_195, %broadcast_in_dim3A_197 : vector<16xi1>, vector<16xi32>
        tpu.vector_store_idx %arg9[%select_n3A_198, %iota3A], %get3A_188 masked %and3A_193 {add = true} : memref<320x16xf32, #tpu.memory_space<vmem>>[vector<16xi32>, vector<16xi32>], vector<16xf32>, vector<16xi1>
      }
      %scan3A_62 = arith.constant 124 : i32
      %scan3A_63 = arith.addi %scan3A_58, %scan3A_62 : i32
      %mul3A_64 = arith.constant 16 : i32
      %mul3A_65 = arith.muli %scan3A_63, %mul3A_64 : i32
      %add3A_66 = arith.constant 0 : i32
      %add3A_67 = arith.addi %add3A_66, %mul3A_65 : i32
      %get3A = arith.index_cast %add3A_67 : i32 to index
      %get3A_68 = tpu.vector_load %arg5[%get3A] {strides = array<i32>} : memref<2000xi32, #tpu.memory_space<vmem>>, vector<16xi32>,
      %get3A_69 = arith.index_cast %add3A_67 : i32 to index
      %get3A_70 = tpu.vector_load %arg7[%get3A_69] {strides = array<i32>} : memref<2000xf32, #tpu.memory_space<vmem>>, vector<16xf32>,
      %ge3A = vector.broadcast %mul3A_2 : i32 to vector<16xi32>
      %ge3A_71 = arith.cmpi sge, %get3A_68, %ge3A : vector<16xi32>
      %lt3A = vector.broadcast %add3A_4 : i32 to vector<16xi32>
      %lt3A_72 = arith.cmpi slt, %get3A_68, %lt3A : vector<16xi32>
      %and3A = arith.andi %ge3A_71, %lt3A_72 : vector<16xi1>
      %sub3A = vector.broadcast %mul3A_2 : i32 to vector<16xi32>
      %sub3A_73 = arith.subi %get3A_68, %sub3A : vector<16xi32>
      %jit3A = arith.constant 0 : i32
      %broadcast_in_dim3A_74 = vector.broadcast %jit3A : i32 to vector<16xi32>
      %select_n3A = arith.select %and3A, %sub3A_73, %broadcast_in_dim3A_74 : vector<16xi1>, vector<16xi32>
      tpu.vector_store_idx %arg9[%select_n3A, %iota3A], %get3A_70 masked %and3A {add = true} : memref<320x16xf32, #tpu.memory_space<vmem>>[vector<16xi32>, vector<16xi32>], vector<16xf32>, vector<16xi1>
      %scan3A_75 = arith.constant 125 : i32
      %add3A_76 = arith.constant 1 : i32
      %add3A_77 = arith.addi %add3A_32, %add3A_76 : i32
      %mul3A_78 = arith.constant 2000 : i32
      %mul3A_79 = arith.muli %add3A_77, %mul3A_78 : i32
      %dma_wait3A_80 = arith.constant 0 : i32
      %dma_wait3A_81 = tpu.memref_slice %arg2[%mul3A_79] : memref<160000xi32, #tpu.memory_space<hbm>> -> memref<2000xi32, #tpu.memory_space<hbm>>
      %dma_wait3A_82 = tpu.memref_slice %arg11[%dma_wait3A_80] : memref<2x!tpu.dma_semaphore, #tpu.memory_space<semaphore_mem>> -> memref<1x!tpu.dma_semaphore, #tpu.memory_space<semaphore_mem>>
      %dma_wait3A_83 = tpu.memref_squeeze %dma_wait3A_82 : memref<1x!tpu.dma_semaphore, #tpu.memory_space<semaphore_mem>> -> memref<!tpu.dma_semaphore, #tpu.memory_space<semaphore_mem>>
      %dma_wait3A_84 = tpu.memref_slice %arg2[%mul3A_79] : memref<160000xi32, #tpu.memory_space<hbm>> -> memref<2000xi32, #tpu.memory_space<hbm>>
      tpu.wait_dma2 semaphore(%dma_wait3A_83 : memref<!tpu.dma_semaphore, #tpu.memory_space<semaphore_mem>>) src(%dma_wait3A_84 : memref<2000xi32, #tpu.memory_space<hbm>>) dst(%arg6 : memref<2000xi32, #tpu.memory_space<vmem>>)
      %dma_wait3A_85 = arith.constant 1 : i32
      %dma_wait3A_86 = tpu.memref_slice %arg3[%mul3A_79] : memref<160000xf32, #tpu.memory_space<hbm>> -> memref<2000xf32, #tpu.memory_space<hbm>>
      %dma_wait3A_87 = tpu.memref_slice %arg11[%dma_wait3A_85] : memref<2x!tpu.dma_semaphore, #tpu.memory_space<semaphore_mem>> -> memref<1x!tpu.dma_semaphore, #tpu.memory_space<semaphore_mem>>
      %dma_wait3A_88 = tpu.memref_squeeze %dma_wait3A_87 : memref<1x!tpu.dma_semaphore, #tpu.memory_space<semaphore_mem>> -> memref<!tpu.dma_semaphore, #tpu.memory_space<semaphore_mem>>
      %dma_wait3A_89 = tpu.memref_slice %arg3[%mul3A_79] : memref<160000xf32, #tpu.memory_space<hbm>> -> memref<2000xf32, #tpu.memory_space<hbm>>
      tpu.wait_dma2 semaphore(%dma_wait3A_88 : memref<!tpu.dma_semaphore, #tpu.memory_space<semaphore_mem>>) src(%dma_wait3A_89 : memref<2000xf32, #tpu.memory_space<hbm>>) dst(%arg8 : memref<2000xf32, #tpu.memory_space<vmem>>)
      %add3A_90 = arith.constant 2 : i32
      %add3A_91 = arith.addi %add3A_32, %add3A_90 : i32
      %lt3A_92 = arith.constant 80 : i32
      %lt3A_93 = arith.cmpi slt, %add3A_91, %lt3A_92 : i32
      %convert_element_type3A = arith.extui %lt3A_93 : i1 to i32
      %cond3A = arith.constant 0 : i32
      %cond3A_94 = arith.cmpi ne, %convert_element_type3A, %cond3A : i32
      scf.if %cond3A_94 {
        %add3A_120 = arith.constant 2 : i32
        %add3A_121 = arith.addi %add3A_32, %add3A_120 : i32
        %mul3A_122 = arith.constant 2000 : i32
        %mul3A_123 = arith.muli %add3A_121, %mul3A_122 : i32
        %dma_start3A_124 = arith.constant 0 : i32
        %dma_start3A_125 = tpu.memref_slice %arg2[%mul3A_123] : memref<160000xi32, #tpu.memory_space<hbm>> -> memref<2000xi32, #tpu.memory_space<hbm>>
        %dma_start3A_126 = tpu.memref_slice %arg10[%dma_start3A_124] : memref<2x!tpu.dma_semaphore, #tpu.memory_space<semaphore_mem>> -> memref<1x!tpu.dma_semaphore, #tpu.memory_space<semaphore_mem>>
        %dma_start3A_127 = tpu.memref_squeeze %dma_start3A_126 : memref<1x!tpu.dma_semaphore, #tpu.memory_space<semaphore_mem>> -> memref<!tpu.dma_semaphore, #tpu.memory_space<semaphore_mem>>
        %dma_start3A_128 = tpu.memref_slice %arg2[%mul3A_123] : memref<160000xi32, #tpu.memory_space<hbm>> -> memref<2000xi32, #tpu.memory_space<hbm>>
        tpu.enqueue_dma source(%dma_start3A_128 : memref<2000xi32, #tpu.memory_space<hbm>>) target(%arg5 : memref<2000xi32, #tpu.memory_space<vmem>>) target_semaphore(%dma_start3A_127 : memref<!tpu.dma_semaphore, #tpu.memory_space<semaphore_mem>>)
        %dma_start3A_129 = arith.constant 1 : i32
        %dma_start3A_130 = tpu.memref_slice %arg3[%mul3A_123] : memref<160000xf32, #tpu.memory_space<hbm>> -> memref<2000xf32, #tpu.memory_space<hbm>>
        %dma_start3A_131 = tpu.memref_slice %arg10[%dma_start3A_129] : memref<2x!tpu.dma_semaphore, #tpu.memory_space<semaphore_mem>> -> memref<1x!tpu.dma_semaphore, #tpu.memory_space<semaphore_mem>>
        %dma_start3A_132 = tpu.memref_squeeze %dma_start3A_131 : memref<1x!tpu.dma_semaphore, #tpu.memory_space<semaphore_mem>> -> memref<!tpu.dma_semaphore, #tpu.memory_space<semaphore_mem>>
        %dma_start3A_133 = tpu.memref_slice %arg3[%mul3A_123] : memref<160000xf32, #tpu.memory_space<hbm>> -> memref<2000xf32, #tpu.memory_space<hbm>>
        tpu.enqueue_dma source(%dma_start3A_133 : memref<2000xf32, #tpu.memory_space<hbm>>) target(%arg7 : memref<2000xf32, #tpu.memory_space<vmem>>) target_semaphore(%dma_start3A_132 : memref<!tpu.dma_semaphore, #tpu.memory_space<semaphore_mem>>)
      } else {
      }
      %scan3A_95 = arith.constant 0 : i32
      %scan3A_96 = arith.constant 124 : i32
      %scan3A_97 = arith.addi %scan3A_95, %scan3A_96 : i32
      %scan3A_98 = arith.constant 4 : i32
      scf.for %scan3A_120 = %scan3A_95 to %scan3A_97 step %scan3A_98  : i32 {
        %mul3A_121 = arith.constant 16 : i32
        %mul3A_122 = arith.muli %scan3A_120, %mul3A_121 : i32
        %add3A_123 = arith.constant 0 : i32
        %add3A_124 = arith.addi %add3A_123, %mul3A_122 : i32
        %get3A_125 = arith.index_cast %add3A_124 : i32 to index
        %get3A_126 = tpu.vector_load %arg6[%get3A_125] {strides = array<i32>} : memref<2000xi32, #tpu.memory_space<vmem>>, vector<16xi32>,
        %get3A_127 = arith.index_cast %add3A_124 : i32 to index
        %get3A_128 = tpu.vector_load %arg8[%get3A_127] {strides = array<i32>} : memref<2000xf32, #tpu.memory_space<vmem>>, vector<16xf32>,
        %ge3A_129 = vector.broadcast %mul3A_2 : i32 to vector<16xi32>
        %ge3A_130 = arith.cmpi sge, %get3A_126, %ge3A_129 : vector<16xi32>
        %lt3A_131 = vector.broadcast %add3A_4 : i32 to vector<16xi32>
        %lt3A_132 = arith.cmpi slt, %get3A_126, %lt3A_131 : vector<16xi32>
        %and3A_133 = arith.andi %ge3A_130, %lt3A_132 : vector<16xi1>
        %sub3A_134 = vector.broadcast %mul3A_2 : i32 to vector<16xi32>
        %sub3A_135 = arith.subi %get3A_126, %sub3A_134 : vector<16xi32>
        %jit3A_136 = arith.constant 0 : i32
        %broadcast_in_dim3A_137 = vector.broadcast %jit3A_136 : i32 to vector<16xi32>
        %select_n3A_138 = arith.select %and3A_133, %sub3A_135, %broadcast_in_dim3A_137 : vector<16xi1>, vector<16xi32>
        tpu.vector_store_idx %arg9[%select_n3A_138, %iota3A], %get3A_128 masked %and3A_133 {add = true} : memref<320x16xf32, #tpu.memory_space<vmem>>[vector<16xi32>, vector<16xi32>], vector<16xf32>, vector<16xi1>
        %scan3A_139 = arith.constant 1 : i32
        %scan3A_140 = arith.addi %scan3A_120, %scan3A_139 : i32
        %mul3A_141 = arith.constant 16 : i32
        %mul3A_142 = arith.muli %scan3A_140, %mul3A_141 : i32
        %add3A_143 = arith.constant 0 : i32
        %add3A_144 = arith.addi %add3A_143, %mul3A_142 : i32
        %get3A_145 = arith.index_cast %add3A_144 : i32 to index
        %get3A_146 = tpu.vector_load %arg6[%get3A_145] {strides = array<i32>} : memref<2000xi32, #tpu.memory_space<vmem>>, vector<16xi32>,
        %get3A_147 = arith.index_cast %add3A_144 : i32 to index
        %get3A_148 = tpu.vector_load %arg8[%get3A_147] {strides = array<i32>} : memref<2000xf32, #tpu.memory_space<vmem>>, vector<16xf32>,
        %ge3A_149 = vector.broadcast %mul3A_2 : i32 to vector<16xi32>
        %ge3A_150 = arith.cmpi sge, %get3A_146, %ge3A_149 : vector<16xi32>
        %lt3A_151 = vector.broadcast %add3A_4 : i32 to vector<16xi32>
        %lt3A_152 = arith.cmpi slt, %get3A_146, %lt3A_151 : vector<16xi32>
        %and3A_153 = arith.andi %ge3A_150, %lt3A_152 : vector<16xi1>
        %sub3A_154 = vector.broadcast %mul3A_2 : i32 to vector<16xi32>
        %sub3A_155 = arith.subi %get3A_146, %sub3A_154 : vector<16xi32>
        %jit3A_156 = arith.constant 0 : i32
        %broadcast_in_dim3A_157 = vector.broadcast %jit3A_156 : i32 to vector<16xi32>
        %select_n3A_158 = arith.select %and3A_153, %sub3A_155, %broadcast_in_dim3A_157 : vector<16xi1>, vector<16xi32>
        tpu.vector_store_idx %arg9[%select_n3A_158, %iota3A], %get3A_148 masked %and3A_153 {add = true} : memref<320x16xf32, #tpu.memory_space<vmem>>[vector<16xi32>, vector<16xi32>], vector<16xf32>, vector<16xi1>
        %scan3A_159 = arith.constant 2 : i32
        %scan3A_160 = arith.addi %scan3A_120, %scan3A_159 : i32
        %mul3A_161 = arith.constant 16 : i32
        %mul3A_162 = arith.muli %scan3A_160, %mul3A_161 : i32
        %add3A_163 = arith.constant 0 : i32
        %add3A_164 = arith.addi %add3A_163, %mul3A_162 : i32
        %get3A_165 = arith.index_cast %add3A_164 : i32 to index
        %get3A_166 = tpu.vector_load %arg6[%get3A_165] {strides = array<i32>} : memref<2000xi32, #tpu.memory_space<vmem>>, vector<16xi32>,
        %get3A_167 = arith.index_cast %add3A_164 : i32 to index
        %get3A_168 = tpu.vector_load %arg8[%get3A_167] {strides = array<i32>} : memref<2000xf32, #tpu.memory_space<vmem>>, vector<16xf32>,
        %ge3A_169 = vector.broadcast %mul3A_2 : i32 to vector<16xi32>
        %ge3A_170 = arith.cmpi sge, %get3A_166, %ge3A_169 : vector<16xi32>
        %lt3A_171 = vector.broadcast %add3A_4 : i32 to vector<16xi32>
        %lt3A_172 = arith.cmpi slt, %get3A_166, %lt3A_171 : vector<16xi32>
        %and3A_173 = arith.andi %ge3A_170, %lt3A_172 : vector<16xi1>
        %sub3A_174 = vector.broadcast %mul3A_2 : i32 to vector<16xi32>
        %sub3A_175 = arith.subi %get3A_166, %sub3A_174 : vector<16xi32>
        %jit3A_176 = arith.constant 0 : i32
        %broadcast_in_dim3A_177 = vector.broadcast %jit3A_176 : i32 to vector<16xi32>
        %select_n3A_178 = arith.select %and3A_173, %sub3A_175, %broadcast_in_dim3A_177 : vector<16xi1>, vector<16xi32>
        tpu.vector_store_idx %arg9[%select_n3A_178, %iota3A], %get3A_168 masked %and3A_173 {add = true} : memref<320x16xf32, #tpu.memory_space<vmem>>[vector<16xi32>, vector<16xi32>], vector<16xf32>, vector<16xi1>
        %scan3A_179 = arith.constant 3 : i32
        %scan3A_180 = arith.addi %scan3A_120, %scan3A_179 : i32
        %mul3A_181 = arith.constant 16 : i32
        %mul3A_182 = arith.muli %scan3A_180, %mul3A_181 : i32
        %add3A_183 = arith.constant 0 : i32
        %add3A_184 = arith.addi %add3A_183, %mul3A_182 : i32
        %get3A_185 = arith.index_cast %add3A_184 : i32 to index
        %get3A_186 = tpu.vector_load %arg6[%get3A_185] {strides = array<i32>} : memref<2000xi32, #tpu.memory_space<vmem>>, vector<16xi32>,
        %get3A_187 = arith.index_cast %add3A_184 : i32 to index
        %get3A_188 = tpu.vector_load %arg8[%get3A_187] {strides = array<i32>} : memref<2000xf32, #tpu.memory_space<vmem>>, vector<16xf32>,
        %ge3A_189 = vector.broadcast %mul3A_2 : i32 to vector<16xi32>
        %ge3A_190 = arith.cmpi sge, %get3A_186, %ge3A_189 : vector<16xi32>
        %lt3A_191 = vector.broadcast %add3A_4 : i32 to vector<16xi32>
        %lt3A_192 = arith.cmpi slt, %get3A_186, %lt3A_191 : vector<16xi32>
        %and3A_193 = arith.andi %ge3A_190, %lt3A_192 : vector<16xi1>
        %sub3A_194 = vector.broadcast %mul3A_2 : i32 to vector<16xi32>
        %sub3A_195 = arith.subi %get3A_186, %sub3A_194 : vector<16xi32>
        %jit3A_196 = arith.constant 0 : i32
        %broadcast_in_dim3A_197 = vector.broadcast %jit3A_196 : i32 to vector<16xi32>
        %select_n3A_198 = arith.select %and3A_193, %sub3A_195, %broadcast_in_dim3A_197 : vector<16xi1>, vector<16xi32>
        tpu.vector_store_idx %arg9[%select_n3A_198, %iota3A], %get3A_188 masked %and3A_193 {add = true} : memref<320x16xf32, #tpu.memory_space<vmem>>[vector<16xi32>, vector<16xi32>], vector<16xf32>, vector<16xi1>
      }
      %scan3A_99 = arith.constant 124 : i32
      %scan3A_100 = arith.addi %scan3A_95, %scan3A_99 : i32
      %mul3A_101 = arith.constant 16 : i32
      %mul3A_102 = arith.muli %scan3A_100, %mul3A_101 : i32
      %add3A_103 = arith.constant 0 : i32
      %add3A_104 = arith.addi %add3A_103, %mul3A_102 : i32
      %get3A_105 = arith.index_cast %add3A_104 : i32 to index
      %get3A_106 = tpu.vector_load %arg6[%get3A_105] {strides = array<i32>} : memref<2000xi32, #tpu.memory_space<vmem>>, vector<16xi32>,
      %get3A_107 = arith.index_cast %add3A_104 : i32 to index
      %get3A_108 = tpu.vector_load %arg8[%get3A_107] {strides = array<i32>} : memref<2000xf32, #tpu.memory_space<vmem>>, vector<16xf32>,
      %ge3A_109 = vector.broadcast %mul3A_2 : i32 to vector<16xi32>
      %ge3A_110 = arith.cmpi sge, %get3A_106, %ge3A_109 : vector<16xi32>
      %lt3A_111 = vector.broadcast %add3A_4 : i32 to vector<16xi32>
      %lt3A_112 = arith.cmpi slt, %get3A_106, %lt3A_111 : vector<16xi32>
      %and3A_113 = arith.andi %ge3A_110, %lt3A_112 : vector<16xi1>
      %sub3A_114 = vector.broadcast %mul3A_2 : i32 to vector<16xi32>
      %sub3A_115 = arith.subi %get3A_106, %sub3A_114 : vector<16xi32>
      %jit3A_116 = arith.constant 0 : i32
      %broadcast_in_dim3A_117 = vector.broadcast %jit3A_116 : i32 to vector<16xi32>
      %select_n3A_118 = arith.select %and3A_113, %sub3A_115, %broadcast_in_dim3A_117 : vector<16xi1>, vector<16xi32>
      tpu.vector_store_idx %arg9[%select_n3A_118, %iota3A], %get3A_108 masked %and3A_113 {add = true} : memref<320x16xf32, #tpu.memory_space<vmem>>[vector<16xi32>, vector<16xi32>], vector<16xf32>, vector<16xi1>
      %scan3A_119 = arith.constant 125 : i32
    }
    %scan3A_27 = arith.constant 40 : i32
    "tpu.region"() ({
      %run_scoped3A = tpu.sem_alloc : memref<!tpu.dma_semaphore, #tpu.memory_space<semaphore_mem>>
      %dma_start3A_28 = arith.constant 0 : i32
      %dma_start3A_29 = tpu.memref_slice %arg4[%mul3A_2, %dma_start3A_28] : memref<10240x16xf32, #tpu.memory_space<hbm>> -> memref<320x16xf32, #tpu.memory_space<hbm>>
      %dma_start3A_30 = arith.constant 0 : i32
      %dma_start3A_31 = tpu.memref_slice %arg4[%mul3A_2, %dma_start3A_30] : memref<10240x16xf32, #tpu.memory_space<hbm>> -> memref<320x16xf32, #tpu.memory_space<hbm>>
      tpu.enqueue_dma source(%arg9 : memref<320x16xf32, #tpu.memory_space<vmem>>) target(%dma_start3A_31 : memref<320x16xf32, #tpu.memory_space<hbm>>) target_semaphore(%run_scoped3A : memref<!tpu.dma_semaphore, #tpu.memory_space<semaphore_mem>>)
      %dma_wait3A = arith.constant 0 : i32
      %dma_wait3A_32 = tpu.memref_slice %arg4[%mul3A_2, %dma_wait3A] : memref<10240x16xf32, #tpu.memory_space<hbm>> -> memref<320x16xf32, #tpu.memory_space<hbm>>
      %dma_wait3A_33 = arith.constant 0 : i32
      %dma_wait3A_34 = tpu.memref_slice %arg4[%mul3A_2, %dma_wait3A_33] : memref<10240x16xf32, #tpu.memory_space<hbm>> -> memref<320x16xf32, #tpu.memory_space<hbm>>
      tpu.wait_dma2 semaphore(%run_scoped3A : memref<!tpu.dma_semaphore, #tpu.memory_space<semaphore_mem>>) src(%arg9 : memref<320x16xf32, #tpu.memory_space<vmem>>) dst(%dma_wait3A_34 : memref<320x16xf32, #tpu.memory_space<hbm>>)
      tpu.yield
    }) : () -> ()
    return
  }
}

</mosaic_0001>

<sc_bundles>
// kernel: _sc_deg.3.cloned.1.call-start
scs
__scs_entry_jumppad:
0x0: {  	(pc) =	sbr.rel $0x88, $3  }
0x1: {  	(tag) =	ssettag $0x0;
	lr =	simm.s32 $0x1  }
0x2: {  	[smem:$0x3F9F] =	sst lr;
	_ =	strace $0xD0000000  }
0x3: {  	_ = 	snop  }
0x4: {  	_ = 	snop  }
0x5: {  	_ = 	snop  }
0x6: {  	_ = 	snop  }
0x7: {  	_ = 	snop  }
__scs_overlays_trampoline_lowered:
0x8: {  	[smem:$0x3FAE] =	sst s0  }
0x9: {  	[smem:$0x3FAF] =	sst s1  }
0xa: {  	[smem:$0x3FB0] =	sst s2  }
0xb: {  	[smem:$0x3FB1] =	sst s3  }
0xc: {  	[smem:$0x3FB2] =	sst s4  }
0xd: {  	[smem:$0x3FB3] =	sst s5  }
0xe: {  	[smem:$0x3FB4] =	sst s6  }
0xf: {  	[smem:$0x3FB5] =	sst s7  }
0x10: {  	[smem:$0x3FB6] =	sst s8  }
0x11: {  	[smem:$0x3FB7] =	sst s9;
	s0 =	simm.s32 @!p0 $0x0  }
0x12: {  	s1 =	sld [smem:$0x3F9D];
	s0 =	simm.s32 @p0 $0x1  }
0x13: {  	[smem:$0x3FB8] =	sst s0;
	s0 =	simm.s32 @!p1 $0x0  }
0x14: {  	s2 =	sld [smem:$0x3F9C];
	s0 =	simm.s32 @p1 $0x1  }
0x15: {  	[smem:$0x3FB9] =	sst s0;
	s0 =	simm.s32 @!p2 $0x0  }
0x16: {  	s3 =	sld [smem:$0x3FDB];
	s0 =	simm.s32 @p2 $0x1  }
0x17: {  	s4 =	simm.s32 $0x1BF5;
	[smem:$0x3FBB] =	sst s0  }
0x18: {  	s0 =	sld [smem:$0x3F9E];
	_ =	swait.ge [sflag:s4], $0x0  }
0x19: {  	s7 =	sld [smem:$0x3F9F]  }
0x1a: {  	s8 =	sadd.s32 $0xFFFFE003, lr  }
0x1b: {  	s9 =	sadd.s32 $0xFFFFFEF7, lr;
	s5 =	simm.s32 $0xFFFFFFFF;
	p2 =	slt.u32 s8, $0xFFFFF086  }
0x1c: {  	p1 =	slt.u32 s9, $0xF7A;
	s5 =	simm.s32 @!p2 $0x0  }
0x1d: {  	s5 =	simm.s32 @p1 $0x1;
	p0 =	seq.s32 s7, s2  }
0x1e: {  	s7 =	smul.u32 @!p0 $0xF7A, s2;
	p2 =	seq.s32 @!p0 s5, $0x0  }
0x1f: {  	s9 =	smul.u32 $0xF7A, s1;
	s8 =	simm.s32 @!p0 $0x1BF5;
	p2 =	por !p2, p0  }
0x20: {  	[sflag:s8] =	ssyncset.s32 @!p0 $0xFFFFF086;
	s6 =	sadd.s32 @!p0 s3, s7;
	s7 =	simm.s32 @!p0 $0x108  }
0x21: {  	s3 =	sadd.s32 s3, s9;
	s6 =	sadd.s32 @!p0 $0x88, s6;
	s7 =	simm.s32 @p2 $0x1082  }
0x22: {  	[simem:s7], [sflag:s8] =	dma.local @!p0 [hbm:s6], $0xF7A  }
0x23: {  	s9 =	sor.u32 $0xD0000000, s2;
	s6 =	simm.s32 $0x108;
	_ =	swait.ge @!p0 [sflag:s8], $0x0  }
0x24: {  	s3 =	sadd.s32 $0x88, s3;
	s6 =	simm.s32 @!p1 $0x1082;
	[sflag:s4] =	ssyncset.s32 $0xFFFFF086  }
0x25: {  	[simem:s6], [sflag:s4] =	dma.local [hbm:s3], $0xF7A  }
0x26: {  	[smem:$0x3F9F] =	sst s1;
	(tag) =	ssettag s2;
	_ =	strace s9  }
0x27: {  	s1 =	sld [smem:$0x3FAF]  }
0x28: {  	s2 =	sld [smem:$0x3FB0]  }
0x29: {  	s4 =	sld [smem:$0x3FB2]  }
0x2a: {  	p0 =	seq.s32 s5, $0x0;
	s5 =	sld [smem:$0x3FB3]  }
0x2b: {  	s6 =	sld [smem:$0x3FB4]  }
0x2c: {  	s7 =	sld [smem:$0x3FB5]  }
0x2d: {  	s3 =	simm.s32 $0x108;
	s8 =	sld [smem:$0x3FB6]  }
0x2e: {  	s3 =	simm.s32 @!p0 $0x1082;
	s9 =	sld [smem:$0x3FB7]  }
0x2f: {  	lr =	sadd.s32 s0, s3;
	s0 =	sld [smem:$0x3FAE]  }
0x30: {  	s3 =	sld [smem:$0x3FB1]  }
0x31: {  	[smem:$0x3FBA] =	sst s10  }
0x32: {  	s10 =	sld [smem:$0x3FB8];
	_ =	sdelay $0x3  }
0x33: {  	p0 =	seq.s32 s10, $0x1;
	s10 =	sld [smem:$0x3FBA];
	_ =	sdelay $0x3  }
0x34: {  	[smem:$0x3FBA] =	sst s10  }
0x35: {  	s10 =	sld [smem:$0x3FB9];
	_ =	sdelay $0x3  }
0x36: {  	p1 =	seq.s32 s10, $0x1;
	s10 =	sld [smem:$0x3FBA];
	_ =	sdelay $0x3  }
0x37: {  	[smem:$0x3FBA] =	sst s10  }
0x38: {  	s10 =	sld [smem:$0x3FBB]  }
0x39: {  	_ = 	snop;
	(pc) =	sbr.ind lr, $3  }
0x3a: {  	_ = 	snop  }
0x3b: {  	_ = 	snop  }
0x3c: {  	p2 =	seq.s32 s10, $0x1;
	s10 =	sld [smem:$0x3FBA]  }
0x3d: {  	_ =	shalt  }
0x3e: {  	_ =	shalt  }
0x3f: {  	_ =	shalt  }
0x40: {  	_ =	shalt  }
0x41: {  	_ =	shalt  }
0x42: {  	_ =	shalt  }
0x43: {  	_ =	shalt  }
0x44: {  	_ =	shalt  }
0x45: {  	_ =	shalt  }
0x46: {  	_ =	shalt  }
0x47: {  	_ =	shalt  }
0x48: {  	_ =	shalt  }
0x49: {  	_ =	shalt  }
0x4a: {  	_ =	shalt  }
0x4b: {  	_ =	shalt  }
0x4c: {  	_ =	shalt  }
0x4d: {  	_ =	shalt  }
0x4e: {  	_ =	shalt  }
0x4f: {  	_ =	shalt  }
0x50: {  	_ =	shalt  }
0x51: {  	_ =	shalt  }
0x52: {  	_ =	shalt  }
0x53: {  	_ =	shalt  }
0x54: {  	_ =	shalt  }
0x55: {  	_ =	shalt  }
0x56: {  	_ =	shalt  }
0x57: {  	_ =	shalt  }
0x58: {  	_ =	shalt  }
0x59: {  	_ =	shalt  }
0x5a: {  	_ =	shalt  }
0x5b: {  	_ =	shalt  }
0x5c: {  	_ =	shalt  }
0x5d: {  	_ =	shalt  }
0x5e: {  	_ =	shalt  }
0x5f: {  	_ =	shalt  }
0x60: {  	_ =	shalt  }
0x61: {  	_ =	shalt  }
0x62: {  	_ =	shalt  }
0x63: {  	_ =	shalt  }
0x64: {  	_ =	shalt  }
0x65: {  	_ =	shalt  }
0x66: {  	_ =	shalt  }
0x67: {  	_ =	shalt  }
0x68: {  	_ =	shalt  }
0x69: {  	_ =	shalt  }
0x6a: {  	_ =	shalt  }
0x6b: {  	_ =	shalt  }
0x6c: {  	_ =	shalt  }
0x6d: {  	_ =	shalt  }
0x6e: {  	_ =	shalt  }
0x6f: {  	_ =	shalt  }
0x70: {  	_ =	shalt  }
0x71: {  	_ =	shalt  }
0x72: {  	_ =	shalt  }
0x73: {  	_ =	shalt  }
0x74: {  	_ =	shalt  }
0x75: {  	_ =	shalt  }
0x76: {  	_ =	shalt  }
0x77: {  	_ =	shalt  }
0x78: {  	_ =	shalt  }
0x79: {  	_ =	shalt  }
0x7a: {  	_ =	shalt  }
0x7b: {  	_ =	shalt  }
0x7c: {  	_ =	shalt  }
0x7d: {  	_ =	shalt  }
0x7e: {  	_ =	shalt  }
0x7f: {  	_ =	shalt  }
0x80: {  	_ =	shalt  }
0x81: {  	_ =	shalt  }
0x82: {  	_ =	shalt  }
0x83: {  	_ =	shalt  }
0x84: {  	_ =	shalt  }
0x85: {  	_ =	shalt  }
0x86: {  	_ =	shalt  }
0x87: {  	_ =	shalt  }
.Lfunc_end0:
.L_simem_size_0:
called_computation_lowered:
.L_overlay_start_0:
0x88: {  	s2 =	sld [smem:$0x3FD9]  }
0x89: {  	s3 =	sld [smem:$0x3FFE];
	_ =	sdelay $0x1  }
0x8a: {  	s1 =	srdreg.scid  }
0x8b: {  	s0 =	sand.u32 $0x1, s1  }
0x8c: {  	s17 =	sshll.u32 s0, $0xA;
	s2 =	sadd.s32 s3, s2  }
0x8d: {  	s2 =	sadd.s32 s2, s17  }
0x8e: {  	[smem:$0x3FC6] =	sst s2  }
0x8f: {  	_ = 	snop  }
0x90: {  	s2 =	sld [smem:$0x3FC9]  }
0x91: {  	s18 =	sld [smem:$0x3FC8];
	(tm) =	ssettm $0x1  }
0x92: {  	s4 =	sld [smem:$0x3FFB];
	_ =	sdelay $0x3  }
0x93: {  	_ =	strace s4  }
0x94: {  	s4 =	sld [smem:$0x3FFC];
	_ =	sdelay $0x3  }
0x95: {  	_ =	strace s4  }
0x96: {  	s4 =	sld [smem:$0x3FFD];
	_ =	sdelay $0x3  }
0x97: {  	_ =	strace s4  }
0x98: {  	_ =	strace $0x8FFFFFFF  }
0x99: {  	s19 =	sld [smem:$0x3FDB];
	_ =	sdelay $0x1  }
0x9a: {  	s5 =	simm.s32 $_scs_section_size  }
0x9b: {  	s6 =	simm.s32 $_size__tile_overlayer_lowered;
	s7 =	simm.s32 $_tile_overlayer_lowered  }
0x9c: {  	s22 =	simm.s32 $0x1BFF;
	s21 =	sshll.u32 s7, $0x1;
	s4 =	sadd.s32 s5, s19  }
0x9d: {  	s8 =	simm.s32 $0x0;
	s20 =	sshll.u32 s6, $0x1;
	s6 =	sadd.s32 s21, s4  }
0x9e: {  	[timem:s8], [sflag:s22] =	dma.local [hbm:s6], s20  }
0x9f: {  	_ =	swait.ge [sflag:s22], s20  }
0xa0: {  	s5 =	ssub.s32 $0x0, s20;
	[sflag:s22] =	ssyncset.done $0x0  }
0xa1: {  	[sflag:s22] =	ssyncadd.s32 s5;
	_ =	sdelay $0x1  }
0xa2: {  	s23 =	simm.s32 $0x1B8B  }
0xa3: {  	_ =	swait.ge [sflag:s23], $0x1  }
0xa4: {  	[sflag:s23] =	ssyncset.done $0x0  }
0xa5: {  	s25 =	simm.s32 $0x1B8E;
	s24 =	sld [smem:$0x3FFE];
	[sflag:s23] =	ssyncadd.s32 $0xFFFFFFFF  }
0xa6: {  	s26 =	simm.s32 $execute0_lowered;
	[smem:$0x3FD2] =	sst s25  }
0xa7: {  	s6 =	sshll.u32 s26, $0x1;
	_ =	strace $0x80000046;
	[dreg:$0x1] =	wrdreg $0xFFFFFFFF  }
0xa8: {  	s28 =	simm.s32 $_size_execute0_lowered;
	s4 =	sadd.s32 s4, s6;
	[dreg:$0x0] =	wrdreg $0x0  }
0xa9: {  	s6 =	sshll.u32 s28, $0x1;
	[dreg:$0x2] =	wrdreg s4  }
0xaa: {  	[dreg:$0x3] =	wrdreg s6  }
0xab: {  	[dreg:$0x4] =	wrdreg $0xC0  }
0xac: {  	_ =	task [dreg:s8], $0x5FFFF  }
0xad: {  	[dreg:$0x1] =	wrdreg $0xFFFFFFFF  }
0xae: {  	[dreg:$0x0] =	wrdreg $0x60  }
0xaf: {  	[dreg:$0x2] =	wrdreg s2  }
0xb0: {  	[dreg:$0x3] =	wrdreg s18  }
0xb1: {  	[dreg:$0x4] =	wrdreg s24  }
0xb2: {  	[dreg:$0x5] =	wrdreg $0x9  }
0xb3: {  	_ =	task.clear_ibuf [dreg:s8], $0x6FFFF;
	_ =	strace $0x90000046  }
0xb4: {  	s29 =	simm.s32 $0x9;
	_ =	strace $0x80000048  }
0xb5: {  	_ =	swait.ge [sflag:s29], $0x1  }
0xb6: {  	[sflag:s29] =	ssyncadd.s32 $0xFFFFFFFF  }
0xb7: {  	_ =	strace $0x90000048  }
0xb8: {  	_ =	sfence  }
0xb9: {  	s30 =	sld [smem:$0x0];
	_ =	sdelay $0x2  }
0xba: {  	s31 =	sshll.u32 s1, $0xD;
	s1 =	sshrl.u32 s1, $0x2  }
0xbb: {  	s3 =	sand.u32 $0x4000, s31;
	s1 =	sadd.s32 s1, s30  }
0xbc: {  	s0 =	sor.u32 s3, s0;
	s1 =	sshll.u32 s1, $0x11  }
0xbd: {  	s0 =	sor.u32 s1, s0  }
0xbe: {  	s0 =	sadd.s32 $0x8F2B, s0  }
0xbf: {  	[sflag:s0] =	ssyncadd.remote.s32 $0x1  }
0xc0: {  	_ =	sfence.sel $0xFFFF  }
0xc1: {  	[dreg:$0x0] =	wrdreg $0xFFFFFFFF;
	(pc) =	sbr.abs _section_cstart, $3  }
0xc2: {  	[dreg:$0x1] =	wrdreg $0xFFFFFFFF  }
0xc3: {  	_ =	task.clear_ibuf [dreg:s8], $0x2FFFF;
	_ =	strace $0x9FFFFFFF  }
0xc4: {  	(tm) =	ssettm $0x7FFFFFFF  }
0xc5: {  	_ =	shalt  }
tec
execute0_lowered:
.L_overlay_start_1:
0x0: {  	(tag) =	ssettag $0x1  }
0x1: {  	s1 =	rddreg [dreg:$0x0]  }
0x2: {  	s3 =	rddreg [dreg:$0x1]  }
0x3: {  	s0 =	srdreg.scid;
	s6 =	rddreg [dreg:$0x2]  }
0x4: {  	s4 =	simm.s32 $0x0;
	s9 =	simm.s32 $0x2;
	s5 =	sand.u32 $0x1, s0  }
0x5: {  	s10 =	simm.s32 $0x800;
	s0 =	stileid.u32;
	s2 =	sshll.u32 s5, $0x4  }
0x6: {  	s12 =	simm.s32 $0x2000;
	s13 =	simm.s32 $0x3;
	s7 =	sor.u32 s0, s2  }
0x7: {  	s15 =	simm.s32 $0x5;
	s16 =	simm.s32 $0x0;
	s8 =	smul.u32 $0x1400, s7  }
0x8: {  	[smem:$0x7FF] =	sst s4;
	s5 =	ssub.s32 $0x2, s5;
	s11 =	smul.u32 $0x140, s7  }
0x9: {  	s2 =	rddreg [dreg:$0x3];
	_ =	strace $0x80000047;
	s31 =	sshrl.u32 s5, $0x1  }
0xa: {  	s7 =	ssub.s32 s5, s31;
	s6 =	sadd.s32 s8, s6;
	s14 =	sadd.s32 $0x140, s11  }
0xb: {  	s8 =	simm.s32 $0x1;
	v0 =	vmov s11;
	s11 =	simm.s32 $0x1800;
	s5 =	sadd.s32 $0x400, s6  }
0xc: {  	v2 =	vimm.f32 $0.0e+00;
	v3 =	vlaneseq.u32;
	s6 =	smax.u32 s7, $0x1;
	s7 =	simm.s32 $0x1000;
	v1 =	vmov s14;
	s14 =	simm.s32 $0x4  }
.LBB2_1:
0xd: {  	s17 =	simm.s32 $0x200;
	s18 =	simm.s32 $0x0  }
.LBB2_2:
0xe: {  	p0 =	sne.s32 s17, $0x27E00;
	[tilespmem:s18+$0x2000] =	vst v2;
	s18 =	smov.u32 s17;
	s17 =	sadd.s32 $0x200, s17  }
.Ltmp0:
0xf: {  	(pc) =	sbr.rel @p0 .LBB2_2-.Ltmp0, $2  }
0x10: {  	_ =	sdelay $0x2  }
0x11: {  	s18 =	sshra.s32 s18, $0x2  }
0x12: {  	[tilespmem:s18+$0x2000] =	vst v2;
	s17 =	simm.s32 $0x0  }
0x13: {  	[tilespmem:s17], [sflag:$0x1] =	stream.linear.gather [hbm4b:s1+s17], $0x7D0, $0x38;
	[tilespmem:$0xC000] =	vst v63  }
0x14: {  	_ = 	snop  }
0x15: {  	[tilespmem:s7], [sflag:$0x2] =	stream.linear.gather [hbm4b:s3+s17], $0x7D0, $0x38;
	[tilespmem:$0xC000] =	vst v63  }
.LBB2_4:
0x16: {  	_ =	swait.ge [sflag:s8], $0x7D0  }
0x17: {  	s18 =	smul.u32 $0xFA0, s17;
	[sflag:s8] =	ssyncset.done $0x0  }
0x18: {  	[sflag:s8] =	ssyncadd.s32 $0xFFFFF830  }
0x19: {  	s19 =	sshrl.u32 s18, $0x3;
	_ =	swait.ge [sflag:s9], $0x7D0  }
0x1a: {  	s19 =	sadd.s32 $0xFA, s19;
	[sflag:s9] =	ssyncset.done $0x0  }
0x1b: {  	s20 =	sadd.s32 s1, s19;
	[sflag:s9] =	ssyncadd.s32 $0xFFFFF830  }
0x1c: {  	[tilespmem:s10], [sflag:$0x3] =	stream.linear.gather [hbm4b:s20+s4], $0x7D0, $0x38;
	[tilespmem:$0xC000] =	vst v63  }
0x1d: {  	s19 =	sadd.s32 s3, s19  }
0x1e: {  	[tilespmem:s11], [sflag:$0x4] =	stream.linear.gather [hbm4b:s19+s4], $0x7D0, $0x38;
	[tilespmem:$0xC000] =	vst v63  }
0x1f: {  	s21 =	simm.s32 $0x20;
	s20 =	simm.s32 $0x1020;
	s19 =	simm.s32 $0xFFFFFFFC  }
.LBB2_5:
0x20: {  	v4 =	vld [tilespmem:s21+$0xFFFFFFE0];
	_ =	sdelay $0x4  }
0x21: {  	v5 =	vsub.s32 v4, v0  }
0x22: {  	vm0 =	vge.s32 v4, v0;
	vm1 =	vlt.s32 v4, v1;
	v4 =	vshll.u32 v5, $0x7  }
0x23: {  	vm0 =	vmand vm0, vm1;
	v4 =	vor.u32 v3, v4  }
0x24: {  	v5 =	vld [tilespmem:s20+$0xFFFFFFE0];
	v4 =	vsel vm0, v4, v3;
	_ =	sdelay $0x4  }
0x25: {  	[tilespmem:v4+s12+$0x0] =	vst.idx.add.f32.msk vm0, v5  }
0x26: {  	v4 =	vld [tilespmem:s21+$0xFFFFFFF0];
	_ =	sdelay $0x4  }
0x27: {  	v5 =	vsub.s32 v4, v0  }
0x28: {  	vm10 =	vge.s32 v4, v0;
	vm11 =	vlt.s32 v4, v1;
	v4 =	vshll.u32 v5, $0x7  }
0x29: {  	vm0 =	vmand vm10, vm11;
	v4 =	vor.u32 v3, v4  }
0x2a: {  	v5 =	vld [tilespmem:s20+$0xFFFFFFF0];
	v4 =	vsel vm0, v4, v3;
	_ =	sdelay $0x4  }
0x2b: {  	[tilespmem:v4+s12+$0x0] =	vst.idx.add.f32.msk vm0, v5  }
0x2c: {  	v4 =	vld [tilespmem:s21+$0x0];
	_ =	sdelay $0x4  }
0x2d: {  	v5 =	vsub.s32 v4, v0  }
0x2e: {  	vm12 =	vge.s32 v4, v0;
	vm13 =	vlt.s32 v4, v1;
	v4 =	vshll.u32 v5, $0x7  }
0x2f: {  	vm0 =	vmand vm12, vm13;
	v4 =	vor.u32 v3, v4  }
0x30: {  	v5 =	vld [tilespmem:s20+$0x0];
	v4 =	vsel vm0, v4, v3;
	_ =	sdelay $0x4  }
0x31: {  	[tilespmem:v4+s12+$0x0] =	vst.idx.add.f32.msk vm0, v5  }
0x32: {  	v4 =	vld [tilespmem:s21+$0x10];
	_ =	sdelay $0x4  }
0x33: {  	v5 =	vsub.s32 v4, v0  }
0x34: {  	vm14 =	vge.s32 v4, v0;
	vm15 =	vlt.s32 v4, v1;
	v4 =	vshll.u32 v5, $0x7  }
0x35: {  	s19 =	sadd.s32 $0x4, s19;
	vm0 =	vmand vm14, vm15;
	v4 =	vor.u32 v3, v4  }
0x36: {  	p0 =	slt.u32 s19, $0x78;
	v5 =	vld [tilespmem:s20+$0x10];
	v4 =	vsel vm0, v4, v3  }
.Ltmp1:
0x37: {  	_ = 	snop;
	(pc) =	sbr.rel @p0 .LBB2_5-.Ltmp1, $2  }
0x38: {  	_ =	sdelay $0x2  }
0x39: {  	s21 =	sadd.s32 $0x40, s21;
	s20 =	sadd.s32 $0x40, s20;
	[tilespmem:v4+s12+$0x0] =	vst.idx.add.f32.msk vm0, v5  }
0x3a: {  	v4 =	vld [tilespmem:$0x7C0];
	_ =	sdelay $0x4  }
0x3b: {  	v5 =	vsub.s32 v4, v0  }
0x3c: {  	vm0 =	vge.s32 v4, v0;
	vm1 =	vlt.s32 v4, v1;
	v4 =	vshll.u32 v5, $0x7  }
0x3d: {  	vm0 =	vmand vm0, vm1;
	v4 =	vor.u32 v3, v4  }
0x3e: {  	v5 =	vld [tilespmem:$0x17C0];
	v4 =	vsel vm0, v4, v3;
	_ =	sdelay $0x4  }
0x3f: {  	[tilespmem:v4+s12+$0x0] =	vst.idx.add.f32.msk vm0, v5  }
0x40: {  	_ =	swait.ge [sflag:s13], $0x7D0  }
0x41: {  	[sflag:s13] =	ssyncset.done $0x0  }
0x42: {  	p0 =	seq.s32 s17, $0x27;
	[sflag:s13] =	ssyncadd.s32 $0xFFFFF830  }
0x43: {  	s18 =	sshrl.u32 @!p0 s18, $0x3;
	_ =	swait.ge [sflag:s14], $0x7D0  }
0x44: {  	s18 =	sadd.s32 @!p0 $0x1F4, s18;
	[sflag:s14] =	ssyncset.done $0x0  }
0x45: {  	s20 =	simm.s32 @!p0 $0x0;
	s19 =	sadd.s32 @!p0 s1, s18;
	[sflag:s14] =	ssyncadd.s32 $0xFFFFF830  }
0x46: {  	[tilespmem:s20], [sflag:$0x1] =	stream.linear.gather @!p0 [hbm4b:s19+s20], $0x7D0, $0x38;
	[tilespmem:$0xC000] =	vst v63  }
0x47: {  	s18 =	sadd.s32 @!p0 s3, s18;
	s19 =	simm.s32 @!p0 $0x1000  }
0x48: {  	[tilespmem:s19], [sflag:$0x2] =	stream.linear.gather @!p0 [hbm4b:s18+s20], $0x7D0, $0x38;
	[tilespmem:$0xC000] =	vst v63  }
0x49: {  	s18 =	simm.s32 $0xFFFFFFFC;
	s19 =	simm.s32 $0x1820;
	s20 =	simm.s32 $0x820  }
.LBB2_7:
0x4a: {  	v4 =	vld [tilespmem:s20+$0xFFFFFFE0];
	_ =	sdelay $0x4  }
0x4b: {  	v5 =	vsub.s32 v4, v0  }
0x4c: {  	vm0 =	vge.s32 v4, v0;
	vm1 =	vlt.s32 v4, v1;
	v4 =	vshll.u32 v5, $0x7  }
0x4d: {  	vm0 =	vmand vm0, vm1;
	v4 =	vor.u32 v3, v4  }
0x4e: {  	v5 =	vld [tilespmem:s19+$0xFFFFFFE0];
	v4 =	vsel vm0, v4, v3;
	_ =	sdelay $0x4  }
0x4f: {  	[tilespmem:v4+s12+$0x0] =	vst.idx.add.f32.msk vm0, v5  }
0x50: {  	v4 =	vld [tilespmem:s20+$0xFFFFFFF0];
	_ =	sdelay $0x4  }
0x51: {  	v5 =	vsub.s32 v4, v0  }
0x52: {  	vm10 =	vge.s32 v4, v0;
	vm11 =	vlt.s32 v4, v1;
	v4 =	vshll.u32 v5, $0x7  }
0x53: {  	vm0 =	vmand vm10, vm11;
	v4 =	vor.u32 v3, v4  }
0x54: {  	v5 =	vld [tilespmem:s19+$0xFFFFFFF0];
	v4 =	vsel vm0, v4, v3;
	_ =	sdelay $0x4  }
0x55: {  	[tilespmem:v4+s12+$0x0] =	vst.idx.add.f32.msk vm0, v5  }
0x56: {  	v4 =	vld [tilespmem:s20+$0x0];
	_ =	sdelay $0x4  }
0x57: {  	v5 =	vsub.s32 v4, v0  }
0x58: {  	vm12 =	vge.s32 v4, v0;
	vm13 =	vlt.s32 v4, v1;
	v4 =	vshll.u32 v5, $0x7  }
0x59: {  	vm0 =	vmand vm12, vm13;
	v4 =	vor.u32 v3, v4  }
0x5a: {  	v5 =	vld [tilespmem:s19+$0x0];
	v4 =	vsel vm0, v4, v3;
	_ =	sdelay $0x4  }
0x5b: {  	[tilespmem:v4+s12+$0x0] =	vst.idx.add.f32.msk vm0, v5  }
0x5c: {  	v4 =	vld [tilespmem:s20+$0x10];
	_ =	sdelay $0x4  }
0x5d: {  	v5 =	vsub.s32 v4, v0  }
0x5e: {  	vm14 =	vge.s32 v4, v0;
	vm15 =	vlt.s32 v4, v1;
	v4 =	vshll.u32 v5, $0x7  }
0x5f: {  	s18 =	sadd.s32 $0x4, s18;
	vm0 =	vmand vm14, vm15;
	v4 =	vor.u32 v3, v4  }
0x60: {  	p0 =	slt.u32 s18, $0x78;
	v5 =	vld [tilespmem:s19+$0x10];
	v4 =	vsel vm0, v4, v3  }
.Ltmp2:
0x61: {  	_ = 	snop;
	(pc) =	sbr.rel @p0 .LBB2_7-.Ltmp2, $2  }
0x62: {  	_ =	sdelay $0x2  }
0x63: {  	s20 =	sadd.s32 $0x40, s20;
	s19 =	sadd.s32 $0x40, s19;
	[tilespmem:v4+s12+$0x0] =	vst.idx.add.f32.msk vm0, v5  }
0x64: {  	v4 =	vld [tilespmem:$0xFC0];
	_ =	sdelay $0x4  }
0x65: {  	v5 =	vsub.s32 v4, v0  }
0x66: {  	vm0 =	vge.s32 v4, v0;
	vm1 =	vlt.s32 v4, v1;
	v4 =	vshll.u32 v5, $0x7  }
0x67: {  	s17 =	sadd.s32 $0x1, s17;
	vm0 =	vmand vm0, vm1;
	v4 =	vor.u32 v3, v4  }
0x68: {  	p0 =	sne.s32 s17, $0x28;
	v5 =	vld [tilespmem:$0x1FC0];
	v4 =	vsel vm0, v4, v3  }
.Ltmp3:
0x69: {  	_ = 	snop;
	(pc) =	sbr.rel @p0 .LBB2_4-.Ltmp3, $2  }
0x6a: {  	_ =	sdelay $0x2  }
0x6b: {  	[tilespmem:v4+s12+$0x0] =	vst.idx.add.f32.msk vm0, v5  }
0x6c: {  	s16 =	sadd.s32 $0x1, s16  }
0x6d: {  	p0 =	sne.s32 s16, s6  }
.Ltmp4:
0x6e: {  	_ = 	snop;
	(pc) =	sbr.rel @p0 .LBB2_1-.Ltmp4, $4  }
0x6f: {  	[hbm4b:s5+s4] =	stream.linear.scatter [tilespmem:s12], [sflag:$0x5], $0xA000, $0x38;
	[tilespmem:$0xC000] =	vst v63  }
0x70: {  	_ =	swait.ge [sflag:s15], $0xA000  }
0x71: {  	[sflag:s15] =	ssyncset.done $0x0  }
0x72: {  	[sflag:s15] =	ssyncadd.s32 $0xFFFF6000  }
0x73: {  	_ =	sfence.sel $0x180000  }
0x74: {  	[bflag:$0x0] =	sbarrier.arrive $0xFFFF  }
0x75: {  	p0 =	sne.s32 s0, $0x0;
	_ =	strace $0x90000047  }
0x76: {  	s0 =	sadd.s32 @!p0 $0x100000, s2;
	[bflag:$0x2] =	sbarrier.arrive $0xFFFF  }
0x77: {  	[sflag:s0] =	ssyncadd.tile.s32 @!p0 $0x1;
	_ =	shalt  }
.Lfunc_end2:
_tile_overlayer_lowered:
.L_overlay_start_2:
0x78: {  	(tag) =	ssettag $0x2  }
0x79: {  	s0 =	rddreg [dreg:$0x0];
	s2 =	stileid.u32  }
0x7a: {  	s1 =	rddreg [dreg:$0x1];
	p0 =	sne.s32 s2, $0x0  }
0x7b: {  	s3 =	rddreg [dreg:$0x2];
	[bflag:$0x3] =	sbarrier.arrive $0xFFFF;
	s2 =	simm.s32 @!p0 $0x1C05  }
0x7c: {  	[timem:s3], [sflag:s2] =	dma.local @!p0 [hbm:s0], s1  }
0x7d: {  	s0 =	simm.s32 @!p0 $0x5  }
0x7e: {  	_ =	swait.ge @!p0 [sflag:s0], s1  }
0x7f: {  	s1 =	ssub.s32 @!p0 $0x0, s1;
	[sflag:s0] =	ssyncset.done @!p0 $0x0  }
0x80: {  	[sflag:s0] =	ssyncadd.s32 @!p0 s1  }
0x81: {  	[bflag:$0x3] =	sbarrier.arrive $0xFFFF  }
0x82: {  	_ =	shalt  }

</sc_bundles>
